<compile_context>
chip_gen: v7x
topology: tpu7x:2x2x1
jax: 0.10.2.dev20260603
libtpu: 0.0.44.dev20260713+nightly
codegen_flags: <defaults>
</compile_context>

<pallas_src>
import functools

import numpy as np
import jax
import jax.numpy as jnp
from jax import lax
from jax.experimental import pallas as pl
from jax.experimental.pallas import tpu as pltpu

N = 50000
M = 10000
MP = 10240
K = 32
RADIUS = 0.06
R2 = RADIUS * RADIUS
NUM_FREQ = 8
EMBED_DIM = 48
BM = 128


def _embed_consts():
    freqs = 1.0 / (10000.0 ** (np.arange(NUM_FREQ, dtype=np.float64) / NUM_FREQ))
    sel16 = np.zeros((16, EMBED_DIM), dtype=np.float32)
    selx = np.zeros((3, EMBED_DIM), dtype=np.float32)
    for c in range(3):
        for t in range(16):
            sel16[c, 16 * c + t] = freqs[t % 8]
            selx[c, 16 * c + t] = freqs[t % 8]
    return jnp.asarray(sel16), jnp.asarray(selx)


def _emb_from_ang(ang):
    j = lax.broadcasted_iota(jnp.int32, ang.shape, len(ang.shape) - 1)
    return jnp.where((j % 16) < 8, jnp.cos(ang), jnp.sin(ang))


def _mlp_body(sx_ref, sy_ref, sz_ref, gf_ref, x_ref, m_ref, selx_ref,
              w0_ref, b0_ref, w1_ref, b1_ref, w2_ref, b2_ref, o_ref):
    f32 = jnp.float32
    fr = selx_ref[...]
    ang_y = (sx_ref[...][:, :, None] * fr[0:1, :][None, :, :]
             + sy_ref[...][:, :, None] * fr[1:2, :][None, :, :]
             + sz_ref[...][:, :, None] * fr[2:3, :][None, :, :])
    emb_y = _emb_from_ang(ang_y).reshape(BM * K, EMBED_DIM)

    xb = x_ref[...]
    ang_x = jnp.dot(xb, selx_ref[...], preferred_element_type=f32)
    emb_x = _emb_from_ang(ang_x)

    w0 = w0_ref[...]
    w0y = w0[:EMBED_DIM, :]
    w0x = w0[EMBED_DIM:, :]
    t_x = jnp.dot(emb_x, w0x, preferred_element_type=f32)
    t_x = jnp.broadcast_to(t_x[:, None, :], (BM, K, 64)).reshape(BM * K, 64)

    h = jnp.dot(emb_y, w0y, preferred_element_type=f32) + t_x + b0_ref[...]
    h = jax.nn.gelu(h)
    h = jnp.dot(h, w1_ref[...], preferred_element_type=f32) + b1_ref[...]
    h = jax.nn.gelu(h)
    kv = jnp.dot(h, w2_ref[...], preferred_element_type=f32) + b2_ref[...]

    contrib = kv * gf_ref[...]
    msk = m_ref[...].reshape(BM, K, 1)
    o_ref[...] = jnp.sum(contrib.reshape(BM, K, 128) * msk, axis=1)


def _mlp_call(s_x, s_y, s_z, g_f, xp, msk, W0, b0, W1, b1, W2, b2, selx):
    nb = MP // BM
    full = lambda shape: pl.BlockSpec(shape, lambda i: tuple(0 for _ in shape))
    return pl.pallas_call(
        _mlp_body,
        grid=(nb,),
        in_specs=[
            pl.BlockSpec((BM, K), lambda i: (i, 0)),
            pl.BlockSpec((BM, K), lambda i: (i, 0)),
            pl.BlockSpec((BM, K), lambda i: (i, 0)),
            pl.BlockSpec((BM * K, 128), lambda i: (i, 0)),
            pl.BlockSpec((BM, 3), lambda i: (i, 0)),
            pl.BlockSpec((BM, K), lambda i: (i, 0)),
            full((3, EMBED_DIM)),
            full((2 * EMBED_DIM, 64)),
            full((64,)),
            full((64, 64)),
            full((64,)),
            full((64, 128)),
            full((128,)),
        ],
        out_specs=pl.BlockSpec((BM, 128), lambda i: (i, 0)),
        out_shape=jax.ShapeDtypeStruct((MP, 128), jnp.float32),
    )(s_x, s_y, s_z, g_f, xp, msk, selx, W0, b0, W1, b1, W2, b2)


def _gather_call(f_y, flat_idx):
    from jax.experimental.pallas import tpu_sc as plsc

    total = MP * K
    nw = 32
    per_w = total // nw
    ck = 128
    nck = per_w // ck

    mesh = plsc.VectorSubcoreMesh(core_axis_name="c", subcore_axis_name="s")

    @functools.partial(
        pl.kernel, mesh=mesh,
        out_type=jax.ShapeDtypeStruct((total, 128), jnp.float32),
        scratch_types=[
            pltpu.VMEM((ck,), jnp.int32),
            pltpu.VMEM((ck, 128), jnp.float32),
            pltpu.SemaphoreType.DMA,
        ],
    )
    def k(f_hbm, idx_hbm, of_hbm, idx_v, rf_v, sem):
        wid = lax.axis_index("s") * 2 + lax.axis_index("c")
        base_w = wid * per_w

        def body(i, _):
            base = base_w + i * ck
            pltpu.sync_copy(idx_hbm.at[pl.ds(base, ck)], idx_v)
            pltpu.async_copy(f_hbm.at[idx_v], rf_v, sem).wait()
            pltpu.sync_copy(rf_v, of_hbm.at[pl.ds(base, ck)])
            return 0

        lax.fori_loop(0, nck, body, 0)

    return k(f_y, flat_idx)


def _nbr_search_jnp(y, x):
    data_sq = jnp.sum(y * y, axis=1)
    idx_chunks, mask_chunks = [], []
    for s in range(0, x.shape[0], 2048):
        q = x[s:s + 2048]
        d2 = jnp.sum(q * q, axis=1)[:, None] + data_sq[None, :] - 2.0 * (q @ y.T)
        neg_d, idx = jax.lax.top_k(-d2, K)
        idx_chunks.append(idx)
        mask_chunks.append((-neg_d) <= R2)
    return jnp.concatenate(idx_chunks, axis=0), jnp.concatenate(mask_chunks, axis=0)


def kernel(y, x, f_y, W0, b0, W1, b1, W2, b2):
    _, selx = _embed_consts()

    nbr_idx, nbr_mask = _nbr_search_jnp(y, x)

    nbr_idx = jnp.pad(nbr_idx, ((0, MP - M), (0, 0)))
    msk = jnp.pad(nbr_mask.astype(jnp.float32), ((0, MP - M), (0, 0)))
    xp = jnp.pad(x, ((0, MP - M), (0, 0)), constant_values=2.0)

    sel_c = jnp.take(y, nbr_idx.reshape(-1), axis=0).reshape(MP, K, 3)
    s_x, s_y, s_z = sel_c[..., 0], sel_c[..., 1], sel_c[..., 2]

    flat_idx = nbr_idx.reshape(MP * K)
    g_f = _gather_call(f_y, flat_idx)

    out = _mlp_call(s_x, s_y, s_z, g_f, xp, msk, W0, b0, W1, b1, W2, b2, selx)
    return out[:M]

# --- scband reference (transcript-rebuilt; emitter-appended) ---
"""Pipeline reference for scband-gnoblock-11227044512422 (READ-ONLY COPY).

The authoritative reference and input builder live on the scoring server;
editing this copy changes nothing except your own understanding.
"""

import jax, jax.numpy as jnp
import numpy as np

N = 50000
M = 10000
COORD_DIM = 3
IN_CHANNELS = 128
OUT_CHANNELS = 128
RADIUS = 0.06
MAX_NEIGHBORS = 32
NUM_FREQ = 8
MAX_POSITIONS = 10000
EMBED_DIM = COORD_DIM * NUM_FREQ * 2
LAYERS = [2 * EMBED_DIM, 64, 64, OUT_CHANNELS]


def setup_inputs(seed: int = 0) -> dict:
    key = jax.random.key(seed)
    ky, kx, kf, kw = jax.random.split(key, 4)
    y = jax.random.uniform(ky, (N, COORD_DIM), dtype=jnp.float32)
    x = jax.random.uniform(kx, (M, COORD_DIM), dtype=jnp.float32)
    f_y = jax.random.normal(kf, (N, IN_CHANNELS), dtype=jnp.float32)
    inputs = {"y": y, "x": x, "f_y": f_y}
    for i in range(len(LAYERS) - 1):
        kw, k1 = jax.random.split(kw)
        inputs[f"W{i}"] = jax.random.normal(k1, (LAYERS[i], LAYERS[i + 1]), dtype=jnp.float32) / np.sqrt(LAYERS[i])
        inputs[f"b{i}"] = jnp.zeros((LAYERS[i + 1],), dtype=jnp.float32)
    return inputs


def sinusoidal_embedding(coords):
    # 'transformer'-style sinusoidal embedding: out dim = coord_dim * NUM_FREQ * 2
    freqs = 1.0 / (MAX_POSITIONS ** (jnp.arange(NUM_FREQ, dtype=jnp.float32) / NUM_FREQ))
    ang = coords[..., None] * freqs  # [n, coord_dim, NUM_FREQ]
    emb = jnp.concatenate([jnp.cos(ang), jnp.sin(ang)], axis=-1)  # [n, coord_dim, 2*NUM_FREQ]
    return emb.reshape(coords.shape[0], -1)


def neighbor_search(data, queries, radius, max_neighbors, chunk=2048):
    # Fixed-radius neighbor search capped at max_neighbors (nearest-first),
    # chunked over queries to bound peak memory. Returns [M, K] indices + validity mask.
    data_sq = jnp.sum(data * data, axis=1)
    r2 = radius * radius
    idx_chunks, mask_chunks = [], []
    for s in range(0, queries.shape[0], chunk):
        q = queries[s:s + chunk]
        d2 = jnp.sum(q * q, axis=1)[:, None] + data_sq[None, :] - 2.0 * (q @ data.T)
        neg_d, idx = jax.lax.top_k(-d2, max_neighbors)
        idx_chunks.append(idx)
        mask_chunks.append((-neg_d) <= r2)
    return jnp.concatenate(idx_chunks, axis=0), jnp.concatenate(mask_chunks, axis=0)


def channel_mlp(h, Ws, bs):
    for i in range(len(Ws)):
        h = h @ Ws[i] + bs[i]
        if i < len(Ws) - 1:
            h = jax.nn.gelu(h)
    return h


def reference(y, x, f_y, W0, b0, W1, b1, W2, b2):
    # GNOBlock forward: neighbor search -> pos embeddings -> linear integral transform.
    nbr_idx, nbr_mask = neighbor_search(y, x, RADIUS, MAX_NEIGHBORS)
    y_emb = sinusoidal_embedding(y)   # [N, EMBED_DIM]
    x_emb = sinusoidal_embedding(x)   # [M, EMBED_DIM]
    rep_y = jnp.take(y_emb, nbr_idx, axis=0)  # gather: [M, K, EMBED_DIM]
    rep_x = jnp.broadcast_to(x_emb[:, None, :], (M, MAX_NEIGHBORS, EMBED_DIM))
    rep = jnp.concatenate([rep_y, rep_x], axis=-1)  # [M, K, 2*EMBED_DIM]
    k_val = channel_mlp(rep, [W0, W1, W2], [b0, b1, b2])  # kernel values [M, K, OUT]
    in_feat = jnp.take(f_y, nbr_idx, axis=0)  # gather: [M, K, IN]
    contrib = k_val * in_feat * nbr_mask[..., None].astype(jnp.float32)
    out = jnp.sum(contrib, axis=1)  # reduction='sum' over neighbors -> [M, OUT]
    return out

if __name__ == "__main__":
    import jax
    _d = setup_inputs()
    print(jax.jit(kernel)(*tuple(_d.values())))

</pallas_src>

<mosaic_0001>
#map = affine_map<(d0, d1) -> (0, 0)>
#map1 = affine_map<(d0, d1) -> (0)>
module attributes {stable_mosaic.version = 14 : i64} {
  func.func @k(%arg0: i32, %arg1: i32, %arg2: memref<50000x128xf32, #tpu.memory_space<hbm>>, %arg3: memref<327680xi32, #tpu.memory_space<hbm>>, %arg4: memref<327680x128xf32, #tpu.memory_space<hbm>>, %arg5: memref<128xi32, #tpu.memory_space<vmem>>, %arg6: memref<128x128xf32, #tpu.memory_space<vmem>>, %arg7: memref<!tpu.dma_semaphore, #tpu.memory_space<semaphore_mem>>) attributes {dimension_semantics = [#tpu.dimension_semantics<core_parallel>, #tpu.dimension_semantics<subcore_parallel>], iteration_bounds = array<i64: 2, 16>, scalar_prefetch = 0 : i64, scratch_operands = 3 : i64, tpu.core_type = #tpu.core_type<sc_vector_subcore>, window_params = [{transform_indices = #map}, {transform_indices = #map1}, {transform_indices = #map}]} {
    %mul3A = arith.constant 2 : i32
    %mul3A_0 = arith.muli %arg1, %mul3A : i32
    %add3A = arith.addi %mul3A_0, %arg0 : i32
    %mul3A_1 = arith.constant 10240 : i32
    %mul3A_2 = arith.muli %add3A, %mul3A_1 : i32
    %scan3A = arith.constant 0 : i32
    %scan3A_3 = arith.constant 0 : i32
    %scan3A_4 = arith.constant 80 : i32
    %scan3A_5 = arith.addi %scan3A_3, %scan3A_4 : i32
    %scan3A_6 = arith.constant 1 : i32
    %scan3A_7 = scf.for %scan3A_9 = %scan3A_3 to %scan3A_5 step %scan3A_6 iter_args(%scan3A_10 = %scan3A) -> (i32)  : i32 {
      %mul3A_11 = arith.constant 128 : i32
      %mul3A_12 = arith.muli %scan3A_9, %mul3A_11 : i32
      %add3A_13 = arith.addi %mul3A_2, %mul3A_12 : i32
      "tpu.region"() ({
        %run_scoped3A = tpu.sem_alloc : memref<!tpu.dma_semaphore, #tpu.memory_space<semaphore_mem>>
        %dma_start3A_19 = tpu.memref_slice %arg3[%add3A_13] : memref<327680xi32, #tpu.memory_space<hbm>> -> memref<128xi32, #tpu.memory_space<hbm>>
        %dma_start3A_20 = tpu.memref_slice %arg3[%add3A_13] : memref<327680xi32, #tpu.memory_space<hbm>> -> memref<128xi32, #tpu.memory_space<hbm>>
        tpu.enqueue_dma source(%dma_start3A_20 : memref<128xi32, #tpu.memory_space<hbm>>) target(%arg5 : memref<128xi32, #tpu.memory_space<vmem>>) target_semaphore(%run_scoped3A : memref<!tpu.dma_semaphore, #tpu.memory_space<semaphore_mem>>)
        %dma_wait3A_21 = tpu.memref_slice %arg3[%add3A_13] : memref<327680xi32, #tpu.memory_space<hbm>> -> memref<128xi32, #tpu.memory_space<hbm>>
        %dma_wait3A_22 = tpu.memref_slice %arg3[%add3A_13] : memref<327680xi32, #tpu.memory_space<hbm>> -> memref<128xi32, #tpu.memory_space<hbm>>
        tpu.wait_dma2 semaphore(%run_scoped3A : memref<!tpu.dma_semaphore, #tpu.memory_space<semaphore_mem>>) src(%dma_wait3A_22 : memref<128xi32, #tpu.memory_space<hbm>>) dst(%arg5 : memref<128xi32, #tpu.memory_space<vmem>>)
        tpu.yield
      }) : () -> ()
      %dma_start3A = arith.constant 0 : i32
      %dma_start3A_14 = arith.constant 0 : i32
      %dma_start3A_15 = tpu.memref_slice %arg2[%dma_start3A, %dma_start3A_14] : memref<50000x128xf32, #tpu.memory_space<hbm>> -> memref<50000x128xf32, #tpu.memory_space<hbm>>
      tpu.enqueue_indirect_dma source(%dma_start3A_15 : memref<50000x128xf32, #tpu.memory_space<hbm>>) target(%arg6 : memref<128x128xf32, #tpu.memory_space<vmem>>) offsets(%arg5 : memref<128xi32, #tpu.memory_space<vmem>>) semaphore(%arg7 : memref<!tpu.dma_semaphore, #tpu.memory_space<semaphore_mem>>)
      %dma_wait3A = arith.constant 0 : i32
      %dma_wait3A_16 = arith.constant 0 : i32
      %dma_wait3A_17 = tpu.memref_slice %arg2[%dma_wait3A, %dma_wait3A_16] : memref<50000x128xf32, #tpu.memory_space<hbm>> -> memref<50000x128xf32, #tpu.memory_space<hbm>>
      tpu.wait_indirect_dma semaphore(%arg7 : memref<!tpu.dma_semaphore, #tpu.memory_space<semaphore_mem>>) src(%dma_wait3A_17 : memref<50000x128xf32, #tpu.memory_space<hbm>>) dst(%arg6 : memref<128x128xf32, #tpu.memory_space<vmem>>)
      "tpu.region"() ({
        %run_scoped3A = tpu.sem_alloc : memref<!tpu.dma_semaphore, #tpu.memory_space<semaphore_mem>>
        %dma_start3A_19 = arith.constant 0 : i32
        %dma_start3A_20 = tpu.memref_slice %arg4[%add3A_13, %dma_start3A_19] : memref<327680x128xf32, #tpu.memory_space<hbm>> -> memref<128x128xf32, #tpu.memory_space<hbm>>
        %dma_start3A_21 = arith.constant 0 : i32
        %dma_start3A_22 = tpu.memref_slice %arg4[%add3A_13, %dma_start3A_21] : memref<327680x128xf32, #tpu.memory_space<hbm>> -> memref<128x128xf32, #tpu.memory_space<hbm>>
        tpu.enqueue_dma source(%arg6 : memref<128x128xf32, #tpu.memory_space<vmem>>) target(%dma_start3A_22 : memref<128x128xf32, #tpu.memory_space<hbm>>) target_semaphore(%run_scoped3A : memref<!tpu.dma_semaphore, #tpu.memory_space<semaphore_mem>>)
        %dma_wait3A_23 = arith.constant 0 : i32
        %dma_wait3A_24 = tpu.memref_slice %arg4[%add3A_13, %dma_wait3A_23] : memref<327680x128xf32, #tpu.memory_space<hbm>> -> memref<128x128xf32, #tpu.memory_space<hbm>>
        %dma_wait3A_25 = arith.constant 0 : i32
        %dma_wait3A_26 = tpu.memref_slice %arg4[%add3A_13, %dma_wait3A_25] : memref<327680x128xf32, #tpu.memory_space<hbm>> -> memref<128x128xf32, #tpu.memory_space<hbm>>
        tpu.wait_dma2 semaphore(%run_scoped3A : memref<!tpu.dma_semaphore, #tpu.memory_space<semaphore_mem>>) src(%arg6 : memref<128x128xf32, #tpu.memory_space<vmem>>) dst(%dma_wait3A_26 : memref<128x128xf32, #tpu.memory_space<hbm>>)
        tpu.yield
      }) : () -> ()
      %scan3A_18 = arith.constant 0 : i32
      scf.yield %scan3A_18 : i32
    }
    %scan3A_8 = arith.constant 80 : i32
    return
  }
}

module attributes {stable_mosaic.version = 14 : i64} {
  func.func @_mlp_body(%arg0: i32, %arg1: memref<128x32xf32, #tpu.memory_space<vmem>>, %arg2: memref<128x32xf32, #tpu.memory_space<vmem>>, %arg3: memref<128x32xf32, #tpu.memory_space<vmem>>, %arg4: memref<4096x128xf32, #tpu.memory_space<vmem>>, %arg5: memref<128x3xf32, #tpu.memory_space<vmem>>, %arg6: memref<128x32xf32, #tpu.memory_space<vmem>>, %arg7: memref<3x48xf32, #tpu.memory_space<vmem>>, %arg8: memref<96x64xf32, #tpu.memory_space<vmem>>, %arg9: memref<64xf32, #tpu.memory_space<vmem>>, %arg10: memref<64x64xf32, #tpu.memory_space<vmem>>, %arg11: memref<64xf32, #tpu.memory_space<vmem>>, %arg12: memref<64x128xf32, #tpu.memory_space<vmem>>, %arg13: memref<128xf32, #tpu.memory_space<vmem>>, %arg14: memref<128x128xf32, #tpu.memory_space<vmem>>) attributes {dimension_semantics = [#tpu.dimension_semantics<arbitrary>], iteration_bounds = array<i64: 80>, scalar_prefetch = 0 : i64, scratch_operands = 0 : i64, tpu.core_type = #tpu.core_type<tc>, window_params = [{transform_indices = @transform_0, window_bounds = array<i64: 128, 32>}, {transform_indices = @transform_1, window_bounds = array<i64: 128, 32>}, {transform_indices = @transform_2, window_bounds = array<i64: 128, 32>}, {transform_indices = @transform_3, window_bounds = array<i64: 4096, 128>}, {transform_indices = @transform_4, window_bounds = array<i64: 128, 3>}, {transform_indices = @transform_5, window_bounds = array<i64: 128, 32>}, {pipeline_mode = #tpu.pipeline_mode<synchronous>, transform_indices = @transform_6, window_bounds = array<i64: 3, 48>}, {pipeline_mode = #tpu.pipeline_mode<synchronous>, transform_indices = @transform_7, window_bounds = array<i64: 96, 64>}, {pipeline_mode = #tpu.pipeline_mode<synchronous>, transform_indices = @transform_8, window_bounds = array<i64: 64>}, {pipeline_mode = #tpu.pipeline_mode<synchronous>, transform_indices = @transform_9, window_bounds = array<i64: 64, 64>}, {pipeline_mode = #tpu.pipeline_mode<synchronous>, transform_indices = @transform_10, window_bounds = array<i64: 64>}, {pipeline_mode = #tpu.pipeline_mode<synchronous>, transform_indices = @transform_11, window_bounds = array<i64: 64, 128>}, {pipeline_mode = #tpu.pipeline_mode<synchronous>, transform_indices = @transform_12, window_bounds = array<i64: 128>}, {transform_indices = @transform_13, window_bounds = array<i64: 128, 128>}]} {
    %get3A = arith.constant 0 : index
    %get3A_0 = arith.constant 0 : index
    %get3A_1 = vector.load %arg7[%get3A, %get3A_0] : memref<3x48xf32, #tpu.memory_space<vmem>>, vector<3x48xf32>
    %get3A_2 = arith.constant 0 : index
    %get3A_3 = arith.constant 0 : index
    %get3A_4 = vector.load %arg1[%get3A_2, %get3A_3] : memref<128x32xf32, #tpu.memory_space<vmem>>, vector<128x32xf32>
    %broadcast_in_dim3A = vector.shape_cast %get3A_4 : vector<128x32xf32> to vector<128x32x1xf32>
    %slice3A = vector.extract_strided_slice %get3A_1 {offsets = [0, 0], sizes = [1, 48], strides = [1, 1]} : vector<3x48xf32> to vector<1x48xf32>
    %broadcast_in_dim3A_5 = vector.shape_cast %slice3A : vector<1x48xf32> to vector<1x1x48xf32>
    %mul3A = vector.broadcast %broadcast_in_dim3A : vector<128x32x1xf32> to vector<128x32x48xf32>
    %mul3A_6 = vector.broadcast %broadcast_in_dim3A_5 : vector<1x1x48xf32> to vector<128x32x48xf32>
    %mul3A_7 = arith.mulf %mul3A, %mul3A_6 : vector<128x32x48xf32>
    %get3A_8 = arith.constant 0 : index
    %get3A_9 = arith.constant 0 : index
    %get3A_10 = vector.load %arg2[%get3A_8, %get3A_9] : memref<128x32xf32, #tpu.memory_space<vmem>>, vector<128x32xf32>
    %broadcast_in_dim3A_11 = vector.shape_cast %get3A_10 : vector<128x32xf32> to vector<128x32x1xf32>
    %slice3A_12 = vector.extract_strided_slice %get3A_1 {offsets = [1, 0], sizes = [1, 48], strides = [1, 1]} : vector<3x48xf32> to vector<1x48xf32>
    %broadcast_in_dim3A_13 = vector.shape_cast %slice3A_12 : vector<1x48xf32> to vector<1x1x48xf32>
    %mul3A_14 = vector.broadcast %broadcast_in_dim3A_11 : vector<128x32x1xf32> to vector<128x32x48xf32>
    %mul3A_15 = vector.broadcast %broadcast_in_dim3A_13 : vector<1x1x48xf32> to vector<128x32x48xf32>
    %mul3A_16 = arith.mulf %mul3A_14, %mul3A_15 : vector<128x32x48xf32>
    %add3A = arith.addf %mul3A_7, %mul3A_16 : vector<128x32x48xf32>
    %get3A_17 = arith.constant 0 : index
    %get3A_18 = arith.constant 0 : index
    %get3A_19 = vector.load %arg3[%get3A_17, %get3A_18] : memref<128x32xf32, #tpu.memory_space<vmem>>, vector<128x32xf32>
    %broadcast_in_dim3A_20 = vector.shape_cast %get3A_19 : vector<128x32xf32> to vector<128x32x1xf32>
    %slice3A_21 = vector.extract_strided_slice %get3A_1 {offsets = [2, 0], sizes = [1, 48], strides = [1, 1]} : vector<3x48xf32> to vector<1x48xf32>
    %broadcast_in_dim3A_22 = vector.shape_cast %slice3A_21 : vector<1x48xf32> to vector<1x1x48xf32>
    %mul3A_23 = vector.broadcast %broadcast_in_dim3A_20 : vector<128x32x1xf32> to vector<128x32x48xf32>
    %mul3A_24 = vector.broadcast %broadcast_in_dim3A_22 : vector<1x1x48xf32> to vector<128x32x48xf32>
    %mul3A_25 = arith.mulf %mul3A_23, %mul3A_24 : vector<128x32x48xf32>
    %add3A_26 = arith.addf %add3A, %mul3A_25 : vector<128x32x48xf32>
    %iota3A = tpu.iota {dimensions = array<i32: 2>} : vector<128x32x48xi32>
    %jit3A = arith.constant 16 : i32
    %eq3A = arith.constant 0 : i32
    %eq3A_27 = arith.cmpi eq, %jit3A, %eq3A : i32
    %jit3A_28 = arith.constant 1 : i32
    %select_n3A = arith.select %eq3A_27, %jit3A_28, %jit3A : i32
    %rem3A = vector.broadcast %select_n3A : i32 to vector<128x32x48xi32>
    %rem3A_29 = arith.remsi %iota3A, %rem3A : vector<128x32x48xi32>
    %ne3A = arith.constant 0 : i32
    %ne3A_30 = vector.broadcast %ne3A : i32 to vector<128x32x48xi32>
    %ne3A_31 = arith.cmpi ne, %rem3A_29, %ne3A_30 : vector<128x32x48xi32>
    %lt3A = arith.constant 0 : i32
    %lt3A_32 = vector.broadcast %lt3A : i32 to vector<128x32x48xi32>
    %lt3A_33 = arith.cmpi slt, %rem3A_29, %lt3A_32 : vector<128x32x48xi32>
    %lt3A_34 = arith.constant 0 : i32
    %lt3A_35 = arith.cmpi slt, %select_n3A, %lt3A_34 : i32
    %ne3A_36 = vector.broadcast %lt3A_35 : i1 to vector<128x32x48xi1>
    %ne3A_37 = vector.broadcast %ne3A_36 : vector<128x32x48xi1> to vector<128x32x48xi1>
    %ne3A_38 = arith.xori %lt3A_33, %ne3A_37 : vector<128x32x48xi1>
    %and3A = arith.andi %ne3A_38, %ne3A_31 : vector<128x32x48xi1>
    %add3A_39 = vector.broadcast %select_n3A : i32 to vector<128x32x48xi32>
    %add3A_40 = arith.addi %rem3A_29, %add3A_39 : vector<128x32x48xi32>
    %select_n3A_41 = arith.select %and3A, %add3A_40, %rem3A_29 : vector<128x32x48xi1>, vector<128x32x48xi32>
    %lt3A_42 = arith.constant 8 : i32
    %lt3A_43 = vector.broadcast %lt3A_42 : i32 to vector<128x32x48xi32>
    %lt3A_44 = arith.cmpi slt, %select_n3A_41, %lt3A_43 : vector<128x32x48xi32>
    %cos3A = math.cos %add3A_26 : vector<128x32x48xf32>
    %sin3A = math.sin %add3A_26 : vector<128x32x48xf32>
    %select_n3A_45 = arith.select %lt3A_44, %cos3A, %sin3A : vector<128x32x48xi1>, vector<128x32x48xf32>
    %reshape3A = vector.shape_cast %select_n3A_45 : vector<128x32x48xf32> to vector<4096x48xf32>
    %get3A_46 = arith.constant 0 : index
    %get3A_47 = arith.constant 0 : index
    %get3A_48 = vector.load %arg5[%get3A_46, %get3A_47] : memref<128x3xf32, #tpu.memory_space<vmem>>, vector<128x3xf32>
    %get3A_49 = arith.constant 0 : index
    %get3A_50 = arith.constant 0 : index
    %get3A_51 = vector.load %arg7[%get3A_49, %get3A_50] : memref<3x48xf32, #tpu.memory_space<vmem>>, vector<3x48xf32>
    %dot_general3A = arith.constant dense<0.000000e+00> : vector<128x48xf32>
    %dot_general3A_52 = tpu.matmul %get3A_48, %get3A_51, %dot_general3A {dimension_numbers = #tpu.dot_dimension_numbers<[1], [0], [0], [1], [0, 0, 1, 1], [], []>, transpose_lhs_hint = false} : vector<128x3xf32>, vector<3x48xf32>, vector<128x48xf32> -> vector<128x48xf32>
    %iota3A_53 = tpu.iota {dimensions = array<i32: 1>} : vector<128x48xi32>
    %jit3A_54 = arith.constant 16 : i32
    %eq3A_55 = arith.constant 0 : i32
    %eq3A_56 = arith.cmpi eq, %jit3A_54, %eq3A_55 : i32
    %jit3A_57 = arith.constant 1 : i32
    %select_n3A_58 = arith.select %eq3A_56, %jit3A_57, %jit3A_54 : i32
    %rem3A_59 = vector.broadcast %select_n3A_58 : i32 to vector<128x48xi32>
    %rem3A_60 = arith.remsi %iota3A_53, %rem3A_59 : vector<128x48xi32>
    %ne3A_61 = arith.constant 0 : i32
    %ne3A_62 = vector.broadcast %ne3A_61 : i32 to vector<128x48xi32>
    %ne3A_63 = arith.cmpi ne, %rem3A_60, %ne3A_62 : vector<128x48xi32>
    %lt3A_64 = arith.constant 0 : i32
    %lt3A_65 = vector.broadcast %lt3A_64 : i32 to vector<128x48xi32>
    %lt3A_66 = arith.cmpi slt, %rem3A_60, %lt3A_65 : vector<128x48xi32>
    %lt3A_67 = arith.constant 0 : i32
    %lt3A_68 = arith.cmpi slt, %select_n3A_58, %lt3A_67 : i32
    %ne3A_69 = vector.broadcast %lt3A_68 : i1 to vector<128x48xi1>
    %ne3A_70 = vector.broadcast %ne3A_69 : vector<128x48xi1> to vector<128x48xi1>
    %ne3A_71 = arith.xori %lt3A_66, %ne3A_70 : vector<128x48xi1>
    %and3A_72 = arith.andi %ne3A_71, %ne3A_63 : vector<128x48xi1>
    %add3A_73 = vector.broadcast %select_n3A_58 : i32 to vector<128x48xi32>
    %add3A_74 = arith.addi %rem3A_60, %add3A_73 : vector<128x48xi32>
    %select_n3A_75 = arith.select %and3A_72, %add3A_74, %rem3A_60 : vector<128x48xi1>, vector<128x48xi32>
    %lt3A_76 = arith.constant 8 : i32
    %lt3A_77 = vector.broadcast %lt3A_76 : i32 to vector<128x48xi32>
    %lt3A_78 = arith.cmpi slt, %select_n3A_75, %lt3A_77 : vector<128x48xi32>
    %cos3A_79 = math.cos %dot_general3A_52 : vector<128x48xf32>
    %sin3A_80 = math.sin %dot_general3A_52 : vector<128x48xf32>
    %select_n3A_81 = arith.select %lt3A_78, %cos3A_79, %sin3A_80 : vector<128x48xi1>, vector<128x48xf32>
    %get3A_82 = arith.constant 0 : index
    %get3A_83 = arith.constant 0 : index
    %get3A_84 = vector.load %arg8[%get3A_82, %get3A_83] : memref<96x64xf32, #tpu.memory_space<vmem>>, vector<96x64xf32>
    %slice3A_85 = vector.extract_strided_slice %get3A_84 {offsets = [0, 0], sizes = [48, 64], strides = [1, 1]} : vector<96x64xf32> to vector<48x64xf32>
    %slice3A_86 = vector.extract_strided_slice %get3A_84 {offsets = [48, 0], sizes = [48, 64], strides = [1, 1]} : vector<96x64xf32> to vector<48x64xf32>
    %dot_general3A_87 = arith.constant dense<0.000000e+00> : vector<128x64xf32>
    %dot_general3A_88 = tpu.matmul %select_n3A_81, %slice3A_86, %dot_general3A_87 {dimension_numbers = #tpu.dot_dimension_numbers<[1], [0], [0], [1], [0, 0, 1, 1], [], []>, transpose_lhs_hint = false} : vector<128x48xf32>, vector<48x64xf32>, vector<128x64xf32> -> vector<128x64xf32>
    %broadcast_in_dim3A_89 = vector.shape_cast %dot_general3A_88 : vector<128x64xf32> to vector<128x1x64xf32>
    %broadcast_in_dim3A_90 = vector.shape_cast %broadcast_in_dim3A_89 : vector<128x1x64xf32> to vector<128x1x64xf32>
    %broadcast_in_dim3A_91 = vector.broadcast %broadcast_in_dim3A_90 : vector<128x1x64xf32> to vector<128x32x64xf32>
    %reshape3A_92 = vector.shape_cast %broadcast_in_dim3A_91 : vector<128x32x64xf32> to vector<4096x64xf32>
    %dot_general3A_93 = arith.constant dense<0.000000e+00> : vector<4096x64xf32>
    %dot_general3A_94 = tpu.matmul %reshape3A, %slice3A_85, %dot_general3A_93 {dimension_numbers = #tpu.dot_dimension_numbers<[1], [0], [0], [1], [0, 0, 1, 1], [], []>, transpose_lhs_hint = false} : vector<4096x48xf32>, vector<48x64xf32>, vector<4096x64xf32> -> vector<4096x64xf32>
    %add3A_95 = arith.addf %dot_general3A_94, %reshape3A_92 : vector<4096x64xf32>
    %get3A_96 = arith.constant 0 : index
    %get3A_97 = vector.load %arg9[%get3A_96] : memref<64xf32, #tpu.memory_space<vmem>>, vector<64xf32>
    %broadcast_in_dim3A_98 = vector.shape_cast %get3A_97 : vector<64xf32> to vector<1x64xf32>
    %add3A_99 = vector.broadcast %broadcast_in_dim3A_98 : vector<1x64xf32> to vector<4096x64xf32>
    %add3A_100 = arith.addf %add3A_95, %add3A_99 : vector<4096x64xf32>
    %integer_pow3A = arith.mulf %add3A_100, %add3A_100 : vector<4096x64xf32>
    %integer_pow3A_101 = arith.mulf %add3A_100, %integer_pow3A : vector<4096x64xf32>
    %mul3A_102 = arith.constant 4.471500e-02 : f32
    %mul3A_103 = vector.broadcast %mul3A_102 : f32 to vector<4096x64xf32>
    %mul3A_104 = arith.mulf %mul3A_103, %integer_pow3A_101 : vector<4096x64xf32>
    %add3A_105 = arith.addf %add3A_100, %mul3A_104 : vector<4096x64xf32>
    %mul3A_106 = arith.constant 0.797884583 : f32
    %mul3A_107 = vector.broadcast %mul3A_106 : f32 to vector<4096x64xf32>
    %mul3A_108 = arith.mulf %mul3A_107, %add3A_105 : vector<4096x64xf32>
    %tanh3A = math.tanh %mul3A_108 : vector<4096x64xf32>
    %add3A_109 = arith.constant 1.000000e+00 : f32
    %add3A_110 = vector.broadcast %add3A_109 : f32 to vector<4096x64xf32>
    %add3A_111 = arith.addf %add3A_110, %tanh3A : vector<4096x64xf32>
    %mul3A_112 = arith.constant 5.000000e-01 : f32
    %mul3A_113 = vector.broadcast %mul3A_112 : f32 to vector<4096x64xf32>
    %mul3A_114 = arith.mulf %mul3A_113, %add3A_111 : vector<4096x64xf32>
    %mul3A_115 = arith.mulf %add3A_100, %mul3A_114 : vector<4096x64xf32>
    %get3A_116 = arith.constant 0 : index
    %get3A_117 = arith.constant 0 : index
    %get3A_118 = vector.load %arg10[%get3A_116, %get3A_117] : memref<64x64xf32, #tpu.memory_space<vmem>>, vector<64x64xf32>
    %dot_general3A_119 = arith.constant dense<0.000000e+00> : vector<4096x64xf32>
    %dot_general3A_120 = tpu.matmul %mul3A_115, %get3A_118, %dot_general3A_119 {dimension_numbers = #tpu.dot_dimension_numbers<[1], [0], [0], [1], [0, 0, 1, 1], [], []>, transpose_lhs_hint = false} : vector<4096x64xf32>, vector<64x64xf32>, vector<4096x64xf32> -> vector<4096x64xf32>
    %get3A_121 = arith.constant 0 : index
    %get3A_122 = vector.load %arg11[%get3A_121] : memref<64xf32, #tpu.memory_space<vmem>>, vector<64xf32>
    %broadcast_in_dim3A_123 = vector.shape_cast %get3A_122 : vector<64xf32> to vector<1x64xf32>
    %add3A_124 = vector.broadcast %broadcast_in_dim3A_123 : vector<1x64xf32> to vector<4096x64xf32>
    %add3A_125 = arith.addf %dot_general3A_120, %add3A_124 : vector<4096x64xf32>
    %integer_pow3A_126 = arith.mulf %add3A_125, %add3A_125 : vector<4096x64xf32>
    %integer_pow3A_127 = arith.mulf %add3A_125, %integer_pow3A_126 : vector<4096x64xf32>
    %mul3A_128 = arith.constant 4.471500e-02 : f32
    %mul3A_129 = vector.broadcast %mul3A_128 : f32 to vector<4096x64xf32>
    %mul3A_130 = arith.mulf %mul3A_129, %integer_pow3A_127 : vector<4096x64xf32>
    %add3A_131 = arith.addf %add3A_125, %mul3A_130 : vector<4096x64xf32>
    %mul3A_132 = arith.constant 0.797884583 : f32
    %mul3A_133 = vector.broadcast %mul3A_132 : f32 to vector<4096x64xf32>
    %mul3A_134 = arith.mulf %mul3A_133, %add3A_131 : vector<4096x64xf32>
    %tanh3A_135 = math.tanh %mul3A_134 : vector<4096x64xf32>
    %add3A_136 = arith.constant 1.000000e+00 : f32
    %add3A_137 = vector.broadcast %add3A_136 : f32 to vector<4096x64xf32>
    %add3A_138 = arith.addf %add3A_137, %tanh3A_135 : vector<4096x64xf32>
    %mul3A_139 = arith.constant 5.000000e-01 : f32
    %mul3A_140 = vector.broadcast %mul3A_139 : f32 to vector<4096x64xf32>
    %mul3A_141 = arith.mulf %mul3A_140, %add3A_138 : vector<4096x64xf32>
    %mul3A_142 = arith.mulf %add3A_125, %mul3A_141 : vector<4096x64xf32>
    %get3A_143 = arith.constant 0 : index
    %get3A_144 = arith.constant 0 : index
    %get3A_145 = vector.load %arg12[%get3A_143, %get3A_144] : memref<64x128xf32, #tpu.memory_space<vmem>>, vector<64x128xf32>
    %dot_general3A_146 = arith.constant dense<0.000000e+00> : vector<4096x128xf32>
    %dot_general3A_147 = tpu.matmul %mul3A_142, %get3A_145, %dot_general3A_146 {dimension_numbers = #tpu.dot_dimension_numbers<[1], [0], [0], [1], [0, 0, 1, 1], [], []>, transpose_lhs_hint = false} : vector<4096x64xf32>, vector<64x128xf32>, vector<4096x128xf32> -> vector<4096x128xf32>
    %get3A_148 = arith.constant 0 : index
    %get3A_149 = vector.load %arg13[%get3A_148] : memref<128xf32, #tpu.memory_space<vmem>>, vector<128xf32>
    %broadcast_in_dim3A_150 = vector.shape_cast %get3A_149 : vector<128xf32> to vector<1x128xf32>
    %add3A_151 = vector.broadcast %broadcast_in_dim3A_150 : vector<1x128xf32> to vector<4096x128xf32>
    %add3A_152 = arith.addf %dot_general3A_147, %add3A_151 : vector<4096x128xf32>
    %get3A_153 = arith.constant 0 : index
    %get3A_154 = arith.constant 0 : index
    %get3A_155 = vector.load %arg4[%get3A_153, %get3A_154] : memref<4096x128xf32, #tpu.memory_space<vmem>>, vector<4096x128xf32>
    %mul3A_156 = arith.mulf %add3A_152, %get3A_155 : vector<4096x128xf32>
    %get3A_157 = arith.constant 0 : index
    %get3A_158 = arith.constant 0 : index
    %get3A_159 = vector.load %arg6[%get3A_157, %get3A_158] : memref<128x32xf32, #tpu.memory_space<vmem>>, vector<128x32xf32>
    %reshape3A_160 = vector.shape_cast %get3A_159 : vector<128x32xf32> to vector<128x32x1xf32>
    %reshape3A_161 = vector.shape_cast %mul3A_156 : vector<4096x128xf32> to vector<128x32x128xf32>
    %mul3A_162 = vector.broadcast %reshape3A_160 : vector<128x32x1xf32> to vector<128x32x128xf32>
    %mul3A_163 = arith.mulf %reshape3A_161, %mul3A_162 : vector<128x32x128xf32>
    %reduce_sum3A = arith.constant dense<0.000000e+00> : vector<128x128xf32>
    %reduce_sum3A_164 = vector.multi_reduction <add>, %mul3A_163, %reduce_sum3A [1] : vector<128x32x128xf32> to vector<128x128xf32>
    %swap3A = arith.constant 0 : index
    %swap3A_165 = arith.constant 0 : index
    %swap3A_166 = vector.load %arg14[%swap3A, %swap3A_165] : memref<128x128xf32, #tpu.memory_space<vmem>>, vector<128x128xf32>
    tpu.vector_store %arg14[%swap3A, %swap3A_165], %reduce_sum3A_164 {strides = array<i32>} : memref<128x128xf32, #tpu.memory_space<vmem>>, vector<128x128xf32>,
    return
  }
  func.func @transform_0(%arg0: i32) -> (i32, i32) {
    %c0_i32 = arith.constant 0 : i32
    %c0_i32_0 = arith.constant 0 : i32
    return %arg0, %c0_i32 : i32, i32
  }
  func.func @transform_1(%arg0: i32) -> (i32, i32) {
    %c0_i32 = arith.constant 0 : i32
    %c0_i32_0 = arith.constant 0 : i32
    return %arg0, %c0_i32 : i32, i32
  }
  func.func @transform_2(%arg0: i32) -> (i32, i32) {
    %c0_i32 = arith.constant 0 : i32
    %c0_i32_0 = arith.constant 0 : i32
    return %arg0, %c0_i32 : i32, i32
  }
  func.func @transform_3(%arg0: i32) -> (i32, i32) {
    %c0_i32 = arith.constant 0 : i32
    %c0_i32_0 = arith.constant 0 : i32
    return %arg0, %c0_i32 : i32, i32
  }
  func.func @transform_4(%arg0: i32) -> (i32, i32) {
    %c0_i32 = arith.constant 0 : i32
    %c0_i32_0 = arith.constant 0 : i32
    return %arg0, %c0_i32 : i32, i32
  }
  func.func @transform_5(%arg0: i32) -> (i32, i32) {
    %c0_i32 = arith.constant 0 : i32
    %c0_i32_0 = arith.constant 0 : i32
    return %arg0, %c0_i32 : i32, i32
  }
  func.func @transform_6(%arg0: i32) -> (i32, i32) {
    %c0_i32 = arith.constant 0 : i32
    %c0_i32_0 = arith.constant 0 : i32
    %c0_i32_1 = arith.constant 0 : i32
    return %c0_i32, %c0_i32_0 : i32, i32
  }
  func.func @transform_7(%arg0: i32) -> (i32, i32) {
    %c0_i32 = arith.constant 0 : i32
    %c0_i32_0 = arith.constant 0 : i32
    %c0_i32_1 = arith.constant 0 : i32
    return %c0_i32, %c0_i32_0 : i32, i32
  }
  func.func @transform_8(%arg0: i32) -> i32 {
    %c0_i32 = arith.constant 0 : i32
    %c0_i32_0 = arith.constant 0 : i32
    return %c0_i32 : i32
  }
  func.func @transform_9(%arg0: i32) -> (i32, i32) {
    %c0_i32 = arith.constant 0 : i32
    %c0_i32_0 = arith.constant 0 : i32
    %c0_i32_1 = arith.constant 0 : i32
    return %c0_i32, %c0_i32_0 : i32, i32
  }
  func.func @transform_10(%arg0: i32) -> i32 {
    %c0_i32 = arith.constant 0 : i32
    %c0_i32_0 = arith.constant 0 : i32
    return %c0_i32 : i32
  }
  func.func @transform_11(%arg0: i32) -> (i32, i32) {
    %c0_i32 = arith.constant 0 : i32
    %c0_i32_0 = arith.constant 0 : i32
    %c0_i32_1 = arith.constant 0 : i32
    return %c0_i32, %c0_i32_0 : i32, i32
  }
  func.func @transform_12(%arg0: i32) -> i32 {
    %c0_i32 = arith.constant 0 : i32
    %c0_i32_0 = arith.constant 0 : i32
    return %c0_i32 : i32
  }
  func.func @transform_13(%arg0: i32) -> (i32, i32) {
    %c0_i32 = arith.constant 0 : i32
    %c0_i32_0 = arith.constant 0 : i32
    return %arg0, %c0_i32 : i32, i32
  }
}

</mosaic_0001>

<sc_bundles>
// kernel: kernel.4.cloned.1.call-start
scs
__scs_entry_jumppad:
0x0: {  	(pc) =	sbr.rel $0x88, $3  }
0x1: {  	(tag) =	ssettag $0x0;
	lr =	simm.s32 $0x1  }
0x2: {  	[smem:$0x3F98] =	sst lr;
	_ =	strace $0xD0000000  }
0x3: {  	_ = 	snop  }
0x4: {  	_ = 	snop  }
0x5: {  	_ = 	snop  }
0x6: {  	_ = 	snop  }
0x7: {  	_ = 	snop  }
__scs_overlays_trampoline_lowered:
0x8: {  	[smem:$0x3FA7] =	sst s0  }
0x9: {  	[smem:$0x3FA8] =	sst s1  }
0xa: {  	[smem:$0x3FA9] =	sst s2  }
0xb: {  	[smem:$0x3FAA] =	sst s3  }
0xc: {  	[smem:$0x3FAB] =	sst s4  }
0xd: {  	[smem:$0x3FAC] =	sst s5  }
0xe: {  	[smem:$0x3FAD] =	sst s6  }
0xf: {  	[smem:$0x3FAE] =	sst s7  }
0x10: {  	[smem:$0x3FAF] =	sst s8  }
0x11: {  	[smem:$0x3FB0] =	sst s9;
	s0 =	simm.s32 @!p0 $0x0  }
0x12: {  	s1 =	sld [smem:$0x3F96];
	s0 =	simm.s32 @p0 $0x1  }
0x13: {  	[smem:$0x3FB1] =	sst s0;
	s0 =	simm.s32 @!p1 $0x0  }
0x14: {  	s2 =	sld [smem:$0x3F95];
	s0 =	simm.s32 @p1 $0x1  }
0x15: {  	[smem:$0x3FB2] =	sst s0;
	s0 =	simm.s32 @!p2 $0x0  }
0x16: {  	s3 =	sld [smem:$0x3FDB];
	s0 =	simm.s32 @p2 $0x1  }
0x17: {  	s4 =	simm.s32 $0x1BF5;
	[smem:$0x3FB4] =	sst s0  }
0x18: {  	s0 =	sld [smem:$0x3F97];
	_ =	swait.ge [sflag:s4], $0x0  }
0x19: {  	s7 =	sld [smem:$0x3F98]  }
0x1a: {  	s8 =	sadd.s32 $0xFFFFE003, lr  }
0x1b: {  	s9 =	sadd.s32 $0xFFFFFEF7, lr;
	s5 =	simm.s32 $0xFFFFFFFF;
	p2 =	slt.u32 s8, $0xFFFFF086  }
0x1c: {  	p1 =	slt.u32 s9, $0xF7A;
	s5 =	simm.s32 @!p2 $0x0  }
0x1d: {  	s5 =	simm.s32 @p1 $0x1;
	p0 =	seq.s32 s7, s2  }
0x1e: {  	s7 =	smul.u32 @!p0 $0xF7A, s2;
	p2 =	seq.s32 @!p0 s5, $0x0  }
0x1f: {  	s9 =	smul.u32 $0xF7A, s1;
	s8 =	simm.s32 @!p0 $0x1BF5;
	p2 =	por !p2, p0  }
0x20: {  	[sflag:s8] =	ssyncset.s32 @!p0 $0xFFFFF086;
	s6 =	sadd.s32 @!p0 s3, s7;
	s7 =	simm.s32 @!p0 $0x108  }
0x21: {  	s3 =	sadd.s32 s3, s9;
	s6 =	sadd.s32 @!p0 $0x88, s6;
	s7 =	simm.s32 @p2 $0x1082  }
0x22: {  	[simem:s7], [sflag:s8] =	dma.local @!p0 [hbm:s6], $0xF7A  }
0x23: {  	s9 =	sor.u32 $0xD0000000, s2;
	s6 =	simm.s32 $0x108;
	_ =	swait.ge @!p0 [sflag:s8], $0x0  }
0x24: {  	s3 =	sadd.s32 $0x88, s3;
	s6 =	simm.s32 @!p1 $0x1082;
	[sflag:s4] =	ssyncset.s32 $0xFFFFF086  }
0x25: {  	[simem:s6], [sflag:s4] =	dma.local [hbm:s3], $0xF7A  }
0x26: {  	[smem:$0x3F98] =	sst s1;
	(tag) =	ssettag s2;
	_ =	strace s9  }
0x27: {  	s1 =	sld [smem:$0x3FA8]  }
0x28: {  	s2 =	sld [smem:$0x3FA9]  }
0x29: {  	s4 =	sld [smem:$0x3FAB]  }
0x2a: {  	p0 =	seq.s32 s5, $0x0;
	s5 =	sld [smem:$0x3FAC]  }
0x2b: {  	s6 =	sld [smem:$0x3FAD]  }
0x2c: {  	s7 =	sld [smem:$0x3FAE]  }
0x2d: {  	s3 =	simm.s32 $0x108;
	s8 =	sld [smem:$0x3FAF]  }
0x2e: {  	s3 =	simm.s32 @!p0 $0x1082;
	s9 =	sld [smem:$0x3FB0]  }
0x2f: {  	lr =	sadd.s32 s0, s3;
	s0 =	sld [smem:$0x3FA7]  }
0x30: {  	s3 =	sld [smem:$0x3FAA]  }
0x31: {  	[smem:$0x3FB3] =	sst s10  }
0x32: {  	s10 =	sld [smem:$0x3FB1];
	_ =	sdelay $0x3  }
0x33: {  	p0 =	seq.s32 s10, $0x1;
	s10 =	sld [smem:$0x3FB3];
	_ =	sdelay $0x3  }
0x34: {  	[smem:$0x3FB3] =	sst s10  }
0x35: {  	s10 =	sld [smem:$0x3FB2];
	_ =	sdelay $0x3  }
0x36: {  	p1 =	seq.s32 s10, $0x1;
	s10 =	sld [smem:$0x3FB3];
	_ =	sdelay $0x3  }
0x37: {  	[smem:$0x3FB3] =	sst s10  }
0x38: {  	s10 =	sld [smem:$0x3FB4]  }
0x39: {  	_ = 	snop;
	(pc) =	sbr.ind lr, $3  }
0x3a: {  	_ = 	snop  }
0x3b: {  	_ = 	snop  }
0x3c: {  	p2 =	seq.s32 s10, $0x1;
	s10 =	sld [smem:$0x3FB3]  }
0x3d: {  	_ =	shalt  }
0x3e: {  	_ =	shalt  }
0x3f: {  	_ =	shalt  }
0x40: {  	_ =	shalt  }
0x41: {  	_ =	shalt  }
0x42: {  	_ =	shalt  }
0x43: {  	_ =	shalt  }
0x44: {  	_ =	shalt  }
0x45: {  	_ =	shalt  }
0x46: {  	_ =	shalt  }
0x47: {  	_ =	shalt  }
0x48: {  	_ =	shalt  }
0x49: {  	_ =	shalt  }
0x4a: {  	_ =	shalt  }
0x4b: {  	_ =	shalt  }
0x4c: {  	_ =	shalt  }
0x4d: {  	_ =	shalt  }
0x4e: {  	_ =	shalt  }
0x4f: {  	_ =	shalt  }
0x50: {  	_ =	shalt  }
0x51: {  	_ =	shalt  }
0x52: {  	_ =	shalt  }
0x53: {  	_ =	shalt  }
0x54: {  	_ =	shalt  }
0x55: {  	_ =	shalt  }
0x56: {  	_ =	shalt  }
0x57: {  	_ =	shalt  }
0x58: {  	_ =	shalt  }
0x59: {  	_ =	shalt  }
0x5a: {  	_ =	shalt  }
0x5b: {  	_ =	shalt  }
0x5c: {  	_ =	shalt  }
0x5d: {  	_ =	shalt  }
0x5e: {  	_ =	shalt  }
0x5f: {  	_ =	shalt  }
0x60: {  	_ =	shalt  }
0x61: {  	_ =	shalt  }
0x62: {  	_ =	shalt  }
0x63: {  	_ =	shalt  }
0x64: {  	_ =	shalt  }
0x65: {  	_ =	shalt  }
0x66: {  	_ =	shalt  }
0x67: {  	_ =	shalt  }
0x68: {  	_ =	shalt  }
0x69: {  	_ =	shalt  }
0x6a: {  	_ =	shalt  }
0x6b: {  	_ =	shalt  }
0x6c: {  	_ =	shalt  }
0x6d: {  	_ =	shalt  }
0x6e: {  	_ =	shalt  }
0x6f: {  	_ =	shalt  }
0x70: {  	_ =	shalt  }
0x71: {  	_ =	shalt  }
0x72: {  	_ =	shalt  }
0x73: {  	_ =	shalt  }
0x74: {  	_ =	shalt  }
0x75: {  	_ =	shalt  }
0x76: {  	_ =	shalt  }
0x77: {  	_ =	shalt  }
0x78: {  	_ =	shalt  }
0x79: {  	_ =	shalt  }
0x7a: {  	_ =	shalt  }
0x7b: {  	_ =	shalt  }
0x7c: {  	_ =	shalt  }
0x7d: {  	_ =	shalt  }
0x7e: {  	_ =	shalt  }
0x7f: {  	_ =	shalt  }
0x80: {  	_ =	shalt  }
0x81: {  	_ =	shalt  }
0x82: {  	_ =	shalt  }
0x83: {  	_ =	shalt  }
0x84: {  	_ =	shalt  }
0x85: {  	_ =	shalt  }
0x86: {  	_ =	shalt  }
0x87: {  	_ =	shalt  }
.Lfunc_end0:
.L_simem_size_0:
called_computation_lowered:
.L_overlay_start_0:
0x88: {  	s2 =	sld [smem:$0x3FD9]  }
0x89: {  	s3 =	sld [smem:$0x3FFE];
	_ =	sdelay $0x1  }
0x8a: {  	s1 =	srdreg.scid  }
0x8b: {  	s0 =	sand.u32 $0x1, s1  }
0x8c: {  	s17 =	sshll.u32 s0, $0xA;
	s2 =	sadd.s32 s3, s2  }
0x8d: {  	s2 =	sadd.s32 s2, s17  }
0x8e: {  	[smem:$0x3FBF] =	sst s2  }
0x8f: {  	_ = 	snop  }
0x90: {  	s2 =	sld [smem:$0x3FC7];
	(tm) =	ssettm $0x1  }
0x91: {  	s18 =	sld [smem:$0x3FFB];
	_ =	sdelay $0x3  }
0x92: {  	_ =	strace s18  }
0x93: {  	s3 =	sld [smem:$0x3FFC];
	_ =	sdelay $0x3  }
0x94: {  	_ =	strace s3  }
0x95: {  	s3 =	sld [smem:$0x3FFD];
	_ =	sdelay $0x3  }
0x96: {  	_ =	strace s3  }
0x97: {  	_ =	strace $0x8FFFFFFF  }
0x98: {  	s19 =	sld [smem:$0x3FDB];
	_ =	sdelay $0x1  }
0x99: {  	s4 =	simm.s32 $_scs_section_size  }
0x9a: {  	s5 =	simm.s32 $_size__tile_overlayer_lowered;
	s6 =	simm.s32 $_tile_overlayer_lowered  }
0x9b: {  	s22 =	simm.s32 $0x1BFF;
	s21 =	sshll.u32 s6, $0x1;
	s3 =	sadd.s32 s4, s19  }
0x9c: {  	s7 =	simm.s32 $0x0;
	s20 =	sshll.u32 s5, $0x1;
	s5 =	sadd.s32 s21, s3  }
0x9d: {  	[timem:s7], [sflag:s22] =	dma.local [hbm:s5], s20  }
0x9e: {  	_ =	swait.ge [sflag:s22], s20  }
0x9f: {  	s4 =	ssub.s32 $0x0, s20;
	[sflag:s22] =	ssyncset.done $0x0  }
0xa0: {  	[sflag:s22] =	ssyncadd.s32 s4;
	_ =	sdelay $0x1  }
0xa1: {  	s23 =	simm.s32 $0x1B8B  }
0xa2: {  	_ =	swait.ge [sflag:s23], $0x1  }
0xa3: {  	[sflag:s23] =	ssyncset.done $0x0  }
0xa4: {  	s25 =	simm.s32 $0x1B8E;
	s24 =	sld [smem:$0x3FFE];
	[sflag:s23] =	ssyncadd.s32 $0xFFFFFFFF  }
0xa5: {  	s26 =	simm.s32 $execute0_lowered;
	[smem:$0x3FD2] =	sst s25  }
0xa6: {  	s5 =	sshll.u32 s26, $0x1;
	_ =	strace $0x80000046;
	[dreg:$0x1] =	wrdreg $0xFFFFFFFF  }
0xa7: {  	s28 =	simm.s32 $_size_execute0_lowered;
	s3 =	sadd.s32 s3, s5;
	[dreg:$0x0] =	wrdreg $0x0  }
0xa8: {  	s5 =	sshll.u32 s28, $0x1;
	[dreg:$0x2] =	wrdreg s3  }
0xa9: {  	[dreg:$0x3] =	wrdreg s5  }
0xaa: {  	[dreg:$0x4] =	wrdreg $0xC0  }
0xab: {  	_ =	task [dreg:s7], $0x5FFFF  }
0xac: {  	[dreg:$0x1] =	wrdreg $0xFFFFFFFF  }
0xad: {  	[dreg:$0x0] =	wrdreg $0x60  }
0xae: {  	[dreg:$0x2] =	wrdreg s2  }
0xaf: {  	[dreg:$0x3] =	wrdreg s24  }
0xb0: {  	[dreg:$0x4] =	wrdreg $0x9  }
0xb1: {  	_ =	task.clear_ibuf [dreg:s7], $0x5FFFF;
	_ =	strace $0x90000046  }
0xb2: {  	s29 =	simm.s32 $0x9;
	_ =	strace $0x80000048  }
0xb3: {  	_ =	swait.ge [sflag:s29], $0x1  }
0xb4: {  	[sflag:s29] =	ssyncadd.s32 $0xFFFFFFFF  }
0xb5: {  	_ =	strace $0x90000048  }
0xb6: {  	_ =	sfence  }
0xb7: {  	s30 =	sld [smem:$0x0];
	_ =	sdelay $0x2  }
0xb8: {  	s31 =	sshll.u32 s1, $0xD;
	s1 =	sshrl.u32 s1, $0x2  }
0xb9: {  	s3 =	sand.u32 $0x4000, s31;
	s1 =	sadd.s32 s1, s30  }
0xba: {  	s0 =	sor.u32 s3, s0;
	s1 =	sshll.u32 s1, $0x11  }
0xbb: {  	s0 =	sor.u32 s1, s0  }
0xbc: {  	s0 =	sadd.s32 $0x8F2B, s0  }
0xbd: {  	[sflag:s0] =	ssyncadd.remote.s32 $0x1  }
0xbe: {  	_ =	sfence.sel $0xFFFF  }
0xbf: {  	[dreg:$0x0] =	wrdreg $0xFFFFFFFF;
	(pc) =	sbr.abs _section_cstart, $3  }
0xc0: {  	[dreg:$0x1] =	wrdreg $0xFFFFFFFF  }
0xc1: {  	_ =	task.clear_ibuf [dreg:s7], $0x2FFFF;
	_ =	strace $0x9FFFFFFF  }
0xc2: {  	(tm) =	ssettm $0x7FFFFFFF  }
0xc3: {  	_ =	shalt  }
tec
execute0_lowered:
.L_overlay_start_1:
0x0: {  	(tag) =	ssettag $0x1  }
0x1: {  	s2 =	rddreg [dreg:$0x0]  }
0x2: {  	s4 =	rddreg [dreg:$0x1]  }
0x3: {  	s0 =	rddreg [dreg:$0x2];
	s1 =	stileid.u32  }
0x4: {  	s5 =	srdreg.scid;
	s3 =	simm.s32 $0x0;
	s6 =	smul.u32 $0x5000, s1  }
0x5: {  	s10 =	simm.s32 $0x0;
	s5 =	sand.u32 $0x1, s5;
	s8 =	smul.u32 $0x50000, s1  }
0x6: {  	[smem:$0x7FF] =	sst s3;
	s7 =	smul.u32 $0x2800, s5;
	s9 =	ssub.s32 $0x2, s5  }
0x7: {  	_ =	strace $0x80000047;
	s5 =	smul.u32 $0x28000, s5;
	s31 =	sshrl.u32 s9, $0x1  }
0x8: {  	s8 =	sadd.s32 s8, s4;
	s6 =	sadd.s32 s7, s6;
	s7 =	ssub.s32 s9, s31  }
0x9: {  	s5 =	sadd.s32 s5, s8;
	s8 =	simm.s32 $0x80;
	s6 =	sshrl.u32 s6, $0x3  }
0xa: {  	s9 =	simm.s32 $0x1;
	s5 =	sadd.s32 $0x5F800, s5;
	s6 =	sadd.s32 s6, s4  }
0xb: {  	s4 =	smax.u32 s7, $0x1;
	s7 =	simm.s32 $0x2;
	s6 =	sadd.s32 $0x55800, s6  }
.LBB2_1:
0xc: {  	s11 =	sadd.s32 $0x0, s6  }
0xd: {  	[tilespmem:s3], [sflag:$0x2] =	stream.linear.gather [hbm4b:s11+s3], $0x80, $0x38;
	[tilespmem:$0x4080] =	vst v63  }
0xe: {  	_ =	swait.ge [sflag:s7], $0x80  }
0xf: {  	[sflag:s7] =	ssyncset.done $0x0  }
0x10: {  	[sflag:s7] =	ssyncadd.s32 $0xFFFFFF80  }
0x11: {  	[tilespmem:s8], [sflag:$0x1] =	stream.indirect.gather [hbm4b:s2+s8], $0x80, s3, s8, $0xb8;
	[tilespmem:$0x4080] =	vst v63  }
0x12: {  	_ =	swait.ge [sflag:s9], $0x4000  }
0x13: {  	[sflag:s9] =	ssyncset.done $0x0  }
0x14: {  	[sflag:s9] =	ssyncadd.s32 $0xFFFFC000  }
0x15: {  	[hbm4b:s5+s3] =	stream.linear.scatter [tilespmem:s8], [sflag:$0x2], $0x4000, $0x38;
	[tilespmem:$0x4080] =	vst v63  }
0x16: {  	s12 =	simm.s32 $0x10;
	_ =	swait.ge [sflag:s7], $0x4000  }
0x17: {  	s13 =	simm.s32 $0x20;
	s11 =	sadd.s32 $0x800, s5;
	[sflag:s7] =	ssyncset.done $0x0  }
.LBB2_2:
0x18: {  	s14 =	sadd.s32 s12, s6  }
0x19: {  	[sflag:s7] =	ssyncadd.s32 $0xFFFFC000;
	s12 =	smov.u32 s13;
	s15 =	sadd.s32 $0x10, s13  }
0x1a: {  	[tilespmem:s3], [sflag:$0x2] =	stream.linear.gather [hbm4b:s14+s3], $0x80, $0x38;
	[tilespmem:$0x4080] =	vst v63  }
0x1b: {  	p0 =	sne.s32 s13, $0x4F0;
	_ =	swait.ge [sflag:s7], $0x80  }
0x1c: {  	[sflag:s7] =	ssyncset.done $0x0  }
0x1d: {  	[sflag:s7] =	ssyncadd.s32 $0xFFFFFF80  }
0x1e: {  	[tilespmem:s8], [sflag:$0x1] =	stream.indirect.gather [hbm4b:s2+s8], $0x80, s3, s8, $0xb8;
	[tilespmem:$0x4080] =	vst v63  }
0x1f: {  	_ =	swait.ge [sflag:s9], $0x4000  }
.Ltmp0:
0x20: {  	[sflag:s9] =	ssyncset.done $0x0;
	(pc) =	sbr.rel @p0 .LBB2_2-.Ltmp0, $4  }
0x21: {  	[sflag:s9] =	ssyncadd.s32 $0xFFFFC000  }
0x22: {  	[hbm4b:s11+s3] =	stream.linear.scatter [tilespmem:s8], [sflag:$0x2], $0x4000, $0x38;
	[tilespmem:$0x4080] =	vst v63  }
0x23: {  	_ =	swait.ge [sflag:s7], $0x4000  }
0x24: {  	s13 =	smov.u32 s15;
	s11 =	sadd.s32 $0x800, s11;
	[sflag:s7] =	ssyncset.done $0x0  }
0x25: {  	s12 =	sadd.s32 s12, s6;
	[sflag:s7] =	ssyncadd.s32 $0xFFFFC000  }
0x26: {  	[tilespmem:s3], [sflag:$0x2] =	stream.linear.gather [hbm4b:s12+s3], $0x80, $0x38;
	[tilespmem:$0x4080] =	vst v63  }
0x27: {  	_ =	swait.ge [sflag:s7], $0x80  }
0x28: {  	[sflag:s7] =	ssyncset.done $0x0  }
0x29: {  	[sflag:s7] =	ssyncadd.s32 $0xFFFFFF80  }
0x2a: {  	[tilespmem:s8], [sflag:$0x1] =	stream.indirect.gather [hbm4b:s2+s8], $0x80, s3, s8, $0xb8;
	[tilespmem:$0x4080] =	vst v63  }
0x2b: {  	s10 =	sadd.s32 $0x1, s10;
	_ =	swait.ge [sflag:s9], $0x4000  }
0x2c: {  	p0 =	sne.s32 s10, s4;
	[sflag:s9] =	ssyncset.done $0x0  }
.Ltmp1:
0x2d: {  	[sflag:s9] =	ssyncadd.s32 $0xFFFFC000;
	(pc) =	sbr.rel @p0 .LBB2_1-.Ltmp1, $4  }
0x2e: {  	[hbm4b:s11+s3] =	stream.linear.scatter [tilespmem:s8], [sflag:$0x2], $0x4000, $0x38;
	[tilespmem:$0x4080] =	vst v63  }
0x2f: {  	_ =	swait.ge [sflag:s7], $0x4000  }
0x30: {  	[sflag:s7] =	ssyncset.done $0x0  }
0x31: {  	[sflag:s7] =	ssyncadd.s32 $0xFFFFC000  }
0x32: {  	_ =	sfence.sel $0x180000  }
0x33: {  	[bflag:$0x0] =	sbarrier.arrive $0xFFFF  }
0x34: {  	p0 =	sne.s32 s1, $0x0;
	_ =	strace $0x90000047  }
0x35: {  	s0 =	sadd.s32 @!p0 $0x100000, s0;
	[bflag:$0x2] =	sbarrier.arrive $0xFFFF  }
0x36: {  	[sflag:s0] =	ssyncadd.tile.s32 @!p0 $0x1;
	_ =	shalt  }
.Lfunc_end2:
_tile_overlayer_lowered:
.L_overlay_start_2:
0x37: {  	(tag) =	ssettag $0x2  }
0x38: {  	s0 =	rddreg [dreg:$0x0];
	s2 =	stileid.u32  }
0x39: {  	s1 =	rddreg [dreg:$0x1];
	p0 =	sne.s32 s2, $0x0  }
0x3a: {  	s3 =	rddreg [dreg:$0x2];
	[bflag:$0x3] =	sbarrier.arrive $0xFFFF;
	s2 =	simm.s32 @!p0 $0x1C02  }
0x3b: {  	[timem:s3], [sflag:s2] =	dma.local @!p0 [hbm:s0], s1  }
0x3c: {  	s0 =	simm.s32 @!p0 $0x2  }
0x3d: {  	_ =	swait.ge @!p0 [sflag:s0], s1  }
0x3e: {  	s1 =	ssub.s32 @!p0 $0x0, s1;
	[sflag:s0] =	ssyncset.done @!p0 $0x0  }
0x3f: {  	[sflag:s0] =	ssyncadd.s32 @!p0 s1  }
0x40: {  	[bflag:$0x3] =	sbarrier.arrive $0xFFFF  }
0x41: {  	_ =	shalt  }

</sc_bundles>
